<compile_context>
chip_gen: v7x
topology: tpu7x:2x2x1
jax: 0.10.2.dev20260603
libtpu: 0.0.44.dev20260713+nightly
codegen_flags: <defaults>
</compile_context>

<pallas_src>
import jax
import jax.numpy as jnp
from jax.experimental import pallas as pl

_N = 1024
_K = 512
_ROWS = 2048
_BISECT = 2


def _count(xb, m):
    return jnp.sum(jnp.where(xb > m, 1.0, 0.0), axis=-1, keepdims=True)


def _body(x_ref, o_ref):
    xb = x_ref[...]
    lo = jnp.full((_ROWS, 1), -1.0, jnp.float32)
    hi = jnp.full((_ROWS, 1), 1.0, jnp.float32)
    clo = jnp.full((_ROWS, 1), float(_N), jnp.float32)
    chi = jnp.zeros((_ROWS, 1), jnp.float32)
    for _ in range(_BISECT):
        mid = 0.5 * (lo + hi)
        cnt = _count(xb, mid)
        ge = cnt >= _K
        lo = jnp.where(ge, mid, lo)
        clo = jnp.where(ge, cnt, clo)
        hi = jnp.where(ge, hi, mid)
        chi = jnp.where(ge, chi, cnt)
    denom = jnp.maximum(clo - chi, 1.0)
    m = lo + (clo - _K) / denom * (hi - lo)
    m = jnp.clip(m, lo, hi)
    s = jnp.sum(jnp.maximum(xb - m, 0.0), axis=-1) + _K * m[:, 0]
    o_ref[...] = s * (1.0 / _K)


def kernel(x):
    b, c, h, w = x.shape
    rows = b * c
    x2 = x.reshape(rows, h * w)
    out = pl.pallas_call(
        _body,
        grid=(rows // _ROWS,),
        in_specs=[pl.BlockSpec((_ROWS, _N), lambda i: (i, 0))],
        out_specs=pl.BlockSpec((_ROWS,), lambda i: (i,)),
        out_shape=jax.ShapeDtypeStruct((rows,), jnp.float32),
    )(x2)
    return out.reshape(b, c)

# --- scband reference (transcript-rebuilt; emitter-appended) ---
"""Pipeline reference for scband-wild-cat-pool-decision-39410619908430 (READ-ONLY COPY).

The authoritative reference and input builder live on the scoring server;
editing this copy changes nothing except your own understanding.
"""

import jax, jax.numpy as jnp
import numpy as np


def _get_k(k, n):
    # mirrors WildCatPoolDecision.get_k
    if k <= 0:
        return 0
    elif k < 1:
        return round(k * n)
    elif k == 1 and isinstance(k, float):
        return int(n)
    elif k == 1 and isinstance(k, int):
        return 1
    elif k > n:
        return int(n)
    else:
        return int(k)


def setup_inputs(seed: int = 0) -> dict:
    key = jax.random.key(seed)
    x = jax.random.normal(key, (64, 768, 32, 32), dtype=jnp.float32)
    return {"x": x}


def reference(x):
    # WildCatPoolDecision(kmax=0.5, kmin=None, alpha=1, dropout=0.0)
    # NOTE: in the original torch code, the kmin branch computes
    #   scores.add(...).div_(2.0)
    # where .add() is NOT in-place, so its result is discarded.
    # The returned value is exactly the mean of the top-kmax features,
    # and we reproduce that faithfully.
    kmax_frac = 0.5
    b, c, h, w = x.shape
    n = h * w
    activations = x.reshape(b, c, n)
    # descending sort along last dim
    sorted_features = -jnp.sort(-activations, axis=-1)
    kmax = _get_k(kmax_frac, n)  # = 512
    scores = jnp.sum(sorted_features[..., :kmax], axis=-1) / kmax
    return scores

if __name__ == "__main__":
    import jax
    _d = setup_inputs()
    print(jax.jit(kernel)(*tuple(_d.values())))

</pallas_src>

<mosaic_0001>
module attributes {stable_mosaic.version = 14 : i64} {
  func.func @_body(%arg0: i32, %arg1: memref<2048x1024xf32, #tpu.memory_space<vmem>>, %arg2: memref<2048xf32, #tpu.memory_space<vmem>>) attributes {dimension_semantics = [#tpu.dimension_semantics<arbitrary>], iteration_bounds = array<i64: 24>, scalar_prefetch = 0 : i64, scratch_operands = 0 : i64, tpu.core_type = #tpu.core_type<tc>, window_params = [{transform_indices = @transform_0, window_bounds = array<i64: 2048, 1024>}, {transform_indices = @transform_1, window_bounds = array<i64: 2048>}]} {
    %get3A = arith.constant 0 : index
    %get3A_0 = arith.constant 0 : index
    %get3A_1 = vector.load %arg1[%get3A, %get3A_0] : memref<2048x1024xf32, #tpu.memory_space<vmem>>, vector<2048x1024xf32>
    %broadcast_in_dim3A = arith.constant -1.000000e+00 : f32
    %broadcast_in_dim3A_2 = vector.broadcast %broadcast_in_dim3A : f32 to vector<2048x1xf32>
    %broadcast_in_dim3A_3 = arith.constant 1.000000e+00 : f32
    %broadcast_in_dim3A_4 = vector.broadcast %broadcast_in_dim3A_3 : f32 to vector<2048x1xf32>
    %broadcast_in_dim3A_5 = arith.constant 1.024000e+03 : f32
    %broadcast_in_dim3A_6 = vector.broadcast %broadcast_in_dim3A_5 : f32 to vector<2048x1xf32>
    %broadcast_in_dim3A_7 = arith.constant 0.000000e+00 : f32
    %broadcast_in_dim3A_8 = vector.broadcast %broadcast_in_dim3A_7 : f32 to vector<2048x1xf32>
    %add3A = arith.addf %broadcast_in_dim3A_2, %broadcast_in_dim3A_4 : vector<2048x1xf32>
    %mul3A = arith.constant 5.000000e-01 : f32
    %mul3A_9 = vector.broadcast %mul3A : f32 to vector<2048x1xf32>
    %mul3A_10 = arith.mulf %mul3A_9, %add3A : vector<2048x1xf32>
    %gt3A = vector.broadcast %mul3A_10 : vector<2048x1xf32> to vector<2048x1024xf32>
    %gt3A_11 = arith.cmpf ogt, %get3A_1, %gt3A : vector<2048x1024xf32>
    %jit3A = arith.constant 1.000000e+00 : f32
    %jit3A_12 = arith.constant 0.000000e+00 : f32
    %broadcast_in_dim3A_13 = vector.broadcast %jit3A : f32 to vector<2048x1024xf32>
    %broadcast_in_dim3A_14 = vector.broadcast %jit3A_12 : f32 to vector<2048x1024xf32>
    %select_n3A = arith.select %gt3A_11, %broadcast_in_dim3A_13, %broadcast_in_dim3A_14 : vector<2048x1024xi1>, vector<2048x1024xf32>
    %reduce_sum3A = arith.constant dense<0.000000e+00> : vector<2048xf32>
    %reduce_sum3A_15 = vector.multi_reduction <add>, %select_n3A, %reduce_sum3A [1] : vector<2048x1024xf32> to vector<2048xf32>
    %broadcast_in_dim3A_16 = vector.shape_cast %reduce_sum3A_15 : vector<2048xf32> to vector<2048x1xf32>
    %ge3A = arith.constant 5.120000e+02 : f32
    %ge3A_17 = vector.broadcast %ge3A : f32 to vector<2048x1xf32>
    %ge3A_18 = arith.cmpf oge, %broadcast_in_dim3A_16, %ge3A_17 : vector<2048x1xf32>
    %select_n3A_19 = arith.select %ge3A_18, %mul3A_10, %broadcast_in_dim3A_2 : vector<2048x1xi1>, vector<2048x1xf32>
    %select_n3A_20 = arith.select %ge3A_18, %broadcast_in_dim3A_16, %broadcast_in_dim3A_6 : vector<2048x1xi1>, vector<2048x1xf32>
    %select_n3A_21 = arith.select %ge3A_18, %broadcast_in_dim3A_4, %mul3A_10 : vector<2048x1xi1>, vector<2048x1xf32>
    %select_n3A_22 = arith.select %ge3A_18, %broadcast_in_dim3A_8, %broadcast_in_dim3A_16 : vector<2048x1xi1>, vector<2048x1xf32>
    %add3A_23 = arith.addf %select_n3A_19, %select_n3A_21 : vector<2048x1xf32>
    %mul3A_24 = arith.constant 5.000000e-01 : f32
    %mul3A_25 = vector.broadcast %mul3A_24 : f32 to vector<2048x1xf32>
    %mul3A_26 = arith.mulf %mul3A_25, %add3A_23 : vector<2048x1xf32>
    %gt3A_27 = vector.broadcast %mul3A_26 : vector<2048x1xf32> to vector<2048x1024xf32>
    %gt3A_28 = arith.cmpf ogt, %get3A_1, %gt3A_27 : vector<2048x1024xf32>
    %jit3A_29 = arith.constant 1.000000e+00 : f32
    %jit3A_30 = arith.constant 0.000000e+00 : f32
    %broadcast_in_dim3A_31 = vector.broadcast %jit3A_29 : f32 to vector<2048x1024xf32>
    %broadcast_in_dim3A_32 = vector.broadcast %jit3A_30 : f32 to vector<2048x1024xf32>
    %select_n3A_33 = arith.select %gt3A_28, %broadcast_in_dim3A_31, %broadcast_in_dim3A_32 : vector<2048x1024xi1>, vector<2048x1024xf32>
    %reduce_sum3A_34 = arith.constant dense<0.000000e+00> : vector<2048xf32>
    %reduce_sum3A_35 = vector.multi_reduction <add>, %select_n3A_33, %reduce_sum3A_34 [1] : vector<2048x1024xf32> to vector<2048xf32>
    %broadcast_in_dim3A_36 = vector.shape_cast %reduce_sum3A_35 : vector<2048xf32> to vector<2048x1xf32>
    %ge3A_37 = arith.constant 5.120000e+02 : f32
    %ge3A_38 = vector.broadcast %ge3A_37 : f32 to vector<2048x1xf32>
    %ge3A_39 = arith.cmpf oge, %broadcast_in_dim3A_36, %ge3A_38 : vector<2048x1xf32>
    %select_n3A_40 = arith.select %ge3A_39, %mul3A_26, %select_n3A_19 : vector<2048x1xi1>, vector<2048x1xf32>
    %select_n3A_41 = arith.select %ge3A_39, %broadcast_in_dim3A_36, %select_n3A_20 : vector<2048x1xi1>, vector<2048x1xf32>
    %select_n3A_42 = arith.select %ge3A_39, %select_n3A_21, %mul3A_26 : vector<2048x1xi1>, vector<2048x1xf32>
    %select_n3A_43 = arith.select %ge3A_39, %select_n3A_22, %broadcast_in_dim3A_36 : vector<2048x1xi1>, vector<2048x1xf32>
    %sub3A = arith.subf %select_n3A_41, %select_n3A_43 : vector<2048x1xf32>
    %max3A = arith.constant 1.000000e+00 : f32
    %max3A_44 = vector.broadcast %max3A : f32 to vector<2048x1xf32>
    %max3A_45 = arith.maximumf %sub3A, %max3A_44 : vector<2048x1xf32>
    %sub3A_46 = arith.constant 5.120000e+02 : f32
    %sub3A_47 = vector.broadcast %sub3A_46 : f32 to vector<2048x1xf32>
    %sub3A_48 = arith.subf %select_n3A_41, %sub3A_47 : vector<2048x1xf32>
    %div3A = arith.divf %sub3A_48, %max3A_45 : vector<2048x1xf32>
    %sub3A_49 = arith.subf %select_n3A_42, %select_n3A_40 : vector<2048x1xf32>
    %mul3A_50 = arith.mulf %div3A, %sub3A_49 : vector<2048x1xf32>
    %add3A_51 = arith.addf %select_n3A_40, %mul3A_50 : vector<2048x1xf32>
    %max3A_52 = arith.maximumf %select_n3A_40, %add3A_51 : vector<2048x1xf32>
    %min3A = arith.minimumf %select_n3A_42, %max3A_52 : vector<2048x1xf32>
    %sub3A_53 = vector.broadcast %min3A : vector<2048x1xf32> to vector<2048x1024xf32>
    %sub3A_54 = arith.subf %get3A_1, %sub3A_53 : vector<2048x1024xf32>
    %max3A_55 = arith.constant 0.000000e+00 : f32
    %max3A_56 = vector.broadcast %max3A_55 : f32 to vector<2048x1024xf32>
    %max3A_57 = arith.maximumf %sub3A_54, %max3A_56 : vector<2048x1024xf32>
    %reduce_sum3A_58 = arith.constant dense<0.000000e+00> : vector<2048xf32>
    %reduce_sum3A_59 = vector.multi_reduction <add>, %max3A_57, %reduce_sum3A_58 [1] : vector<2048x1024xf32> to vector<2048xf32>
    %squeeze3A = vector.shape_cast %min3A : vector<2048x1xf32> to vector<2048xf32>
    %mul3A_60 = arith.constant 5.120000e+02 : f32
    %mul3A_61 = vector.broadcast %mul3A_60 : f32 to vector<2048xf32>
    %mul3A_62 = arith.mulf %mul3A_61, %squeeze3A : vector<2048xf32>
    %add3A_63 = arith.addf %reduce_sum3A_59, %mul3A_62 : vector<2048xf32>
    %mul3A_64 = arith.constant 0.001953125 : f32
    %mul3A_65 = vector.broadcast %mul3A_64 : f32 to vector<2048xf32>
    %mul3A_66 = arith.mulf %add3A_63, %mul3A_65 : vector<2048xf32>
    %swap3A = arith.constant 0 : index
    %swap3A_67 = vector.load %arg2[%swap3A] : memref<2048xf32, #tpu.memory_space<vmem>>, vector<2048xf32>
    tpu.vector_store %arg2[%swap3A], %mul3A_66 {strides = array<i32>} : memref<2048xf32, #tpu.memory_space<vmem>>, vector<2048xf32>,
    return
  }
  func.func @transform_0(%arg0: i32) -> (i32, i32) {
    %c0_i32 = arith.constant 0 : i32
    %c0_i32_0 = arith.constant 0 : i32
    return %arg0, %c0_i32 : i32, i32
  }
  func.func @transform_1(%arg0: i32) -> i32 {
    %c0_i32 = arith.constant 0 : i32
    return %arg0 : i32
  }
}

</mosaic_0001>

<sc_bundles>
// kernel: sparse-core-data-format-call.cloned.1.call-start
scs
called_computation_lowered:
.L_overlay_start_0:
0x0: {  	s1 =	sld [smem:$0x3FD9]  }
0x1: {  	s2 =	sld [smem:$0x3FFE];
	_ =	sdelay $0x1  }
0x2: {  	s3 =	srdreg.scid  }
0x3: {  	s0 =	sand.u32 $0x1, s3  }
0x4: {  	s17 =	sshll.u32 s0, $0xA;
	s1 =	sadd.s32 s2, s1  }
0x5: {  	s1 =	sadd.s32 s1, s17  }
0x6: {  	[smem:$0x3FC7] =	sst s1  }
0x7: {  	_ = 	snop  }
0x8: {  	(tm) =	ssettm $0x1  }
0x9: {  	s18 =	sld [smem:$0x3FFB];
	_ =	sdelay $0x3  }
0xa: {  	_ =	strace s18  }
0xb: {  	s1 =	sld [smem:$0x3FFC];
	_ =	sdelay $0x3  }
0xc: {  	_ =	strace s1  }
0xd: {  	s1 =	sld [smem:$0x3FFD];
	_ =	sdelay $0x3  }
0xe: {  	_ =	strace s1  }
0xf: {  	_ =	strace $0x8FFFFFFF  }
0x10: {  	s19 =	sld [smem:$0x3FDB];
	_ =	sdelay $0x1  }
0x11: {  	s20 =	simm.s32 $_scs_section_size  }
0x12: {  	s4 =	simm.s32 $_size__tile_overlayer_lowered;
	s5 =	simm.s32 $_tile_overlayer_lowered  }
0x13: {  	s23 =	simm.s32 $0x1BFF;
	s22 =	sshll.u32 s5, $0x1;
	s1 =	sadd.s32 s20, s19  }
0x14: {  	s6 =	simm.s32 $0x0;
	s21 =	sshll.u32 s4, $0x1;
	s4 =	sadd.s32 s22, s1  }
0x15: {  	[timem:s6], [sflag:s23] =	dma.local [hbm:s4], s21  }
0x16: {  	_ =	swait.ge [sflag:s23], s21  }
0x17: {  	s2 =	ssub.s32 $0x0, s21;
	[sflag:s23] =	ssyncset.done $0x0  }
0x18: {  	[sflag:s23] =	ssyncadd.s32 s2;
	_ =	sdelay $0x1  }
0x19: {  	s24 =	simm.s32 $0x1B8B  }
0x1a: {  	_ =	swait.ge [sflag:s24], $0x1  }
0x1b: {  	[sflag:s24] =	ssyncset.done $0x0  }
0x1c: {  	s26 =	simm.s32 $0x1B8E;
	s25 =	sld [smem:$0x3FFE];
	[sflag:s24] =	ssyncadd.s32 $0xFFFFFFFF  }
0x1d: {  	s27 =	simm.s32 $execute0_lowered;
	[smem:$0x3FD2] =	sst s26  }
0x1e: {  	s4 =	sshll.u32 s27, $0x1;
	_ =	strace $0x80000046;
	[dreg:$0x1] =	wrdreg $0xFFFFFFFF  }
0x1f: {  	s28 =	simm.s32 $_size_execute0_lowered;
	s1 =	sadd.s32 s1, s4;
	[dreg:$0x0] =	wrdreg $0x0  }
0x20: {  	s4 =	sshll.u32 s28, $0x1;
	[dreg:$0x2] =	wrdreg s1  }
0x21: {  	[dreg:$0x3] =	wrdreg s4  }
0x22: {  	[dreg:$0x4] =	wrdreg $0xC0  }
0x23: {  	_ =	task [dreg:s6], $0x5FFFF  }
0x24: {  	[dreg:$0x1] =	wrdreg $0xFFFFFFFF  }
0x25: {  	[dreg:$0x0] =	wrdreg $0x60  }
0x26: {  	[dreg:$0x2] =	wrdreg s25  }
0x27: {  	[dreg:$0x3] =	wrdreg $0x9  }
0x28: {  	_ =	task.clear_ibuf [dreg:s6], $0x4FFFF;
	_ =	strace $0x90000046  }
0x29: {  	s29 =	simm.s32 $0x9;
	_ =	strace $0x80000048  }
0x2a: {  	_ =	swait.ge [sflag:s29], $0x1  }
0x2b: {  	[sflag:s29] =	ssyncadd.s32 $0xFFFFFFFF  }
0x2c: {  	_ =	strace $0x90000048  }
0x2d: {  	_ =	sfence  }
0x2e: {  	s30 =	sld [smem:$0x0];
	_ =	sdelay $0x2  }
0x2f: {  	s31 =	sshll.u32 s3, $0xD;
	s3 =	sshrl.u32 s3, $0x2  }
0x30: {  	s2 =	sand.u32 $0x4000, s31;
	s1 =	sadd.s32 s3, s30  }
0x31: {  	s0 =	sor.u32 s2, s0;
	s1 =	sshll.u32 s1, $0x11  }
0x32: {  	s0 =	sor.u32 s1, s0  }
0x33: {  	s0 =	sadd.s32 $0x8F2B, s0  }
0x34: {  	[sflag:s0] =	ssyncadd.remote.s32 $0x1  }
0x35: {  	_ =	sfence.sel $0xFFFF  }
0x36: {  	[dreg:$0x0] =	wrdreg $0xFFFFFFFF;
	(pc) =	sbr.abs _section_cstart, $3  }
0x37: {  	[dreg:$0x1] =	wrdreg $0xFFFFFFFF  }
0x38: {  	_ =	task.clear_ibuf [dreg:s6], $0x2FFFF;
	_ =	strace $0x9FFFFFFF  }
0x39: {  	(tm) =	ssettm $0x7FFFFFFF  }
tec
execute0_lowered:
.L_overlay_start_1:
0x0: {  	(tag) =	ssettag $0x1  }
0x1: {  	s1 =	rddreg [dreg:$0x0]  }
0x2: {  	s0 =	rddreg [dreg:$0x1];
	_ =	strace $0x80000047  }
0x3: {  	s4 =	srdreg.scid;
	s6 =	simm.s32 $0x2;
	s13 =	simm.s32 $0x0  }
0x4: {  	p0 =	por $0x0, $0x0;
	s12 =	simm.s32 $0x0;
	s15 =	simm.s32 $0x0  }
0x5: {  	s14 =	simm.s32 $0x0;
	s8 =	simm.s32 $0x0;
	s9 =	simm.s32 $0x0  }
.Ltmp0:
0x6: {  	s10 =	simm.s32 $0x0;
	s7 =	simm.s32 $0x0;
	(pc) =	sbr.rel .LBB1_1-.Ltmp0, $4  }
0x7: {  	s2 =	sadd.s32 $0x400, s1;
	s3 =	sadd.s32 $0x600400, s1;
	s5 =	sshll.u32 s4, $0x4  }
0x8: {  	s1 =	stileid.u32;
	s4 =	simm.s32 $0x1;
	s5 =	sand.u32 $0x10, s5  }
0x9: {  	s22 =	simm.s32 $0x0;
	[sflag:s4] =	ssyncpa.u1 $0x0;
	s5 =	sor.u32 s1, s5  }
0xa: {  	[sflag:s6] =	ssyncpa.u1 $0x0;
	s6 =	simm.s32 $0x1800;
	s11 =	smov.u32 s5  }
.LBB1_7:
0xb: {  	s16 =	sadd.s32 $0x80, s8  }
0xc: {  	s12 =	sadd.s32 $0x40, s9;
	s17 =	smov.u32 s9;
	p2 =	sgt.s32 s16, $0x2FF  }
0xd: {  	s17 =	smov.u32 @p2 s12  }
0xe: {  	s18 =	smov.u32 s10;
	s12 =	sadd.s32 $0x2, s10;
	p3 =	sgt.s32 s17, $0x3F  }
0xf: {  	s18 =	smov.u32 @p3 s12  }
0x10: {  	s19 =	smov.u32 s11;
	s12 =	sadd.s32 $0x20, s11;
	p4 =	sgt.s32 s18, $0x7  }
0x11: {  	p1 =	slt.u32 s7, $0x2;
	s19 =	smov.u32 @p4 s12  }
0x12: {  	s7 =	sadd.s32 $0x1, s7;
	s16 =	simm.s32 @p2 $0x0;
	p2 =	sgt.s32 s19, $0x7F  }
0x13: {  	s13 =	smov.u32 s8;
	s19 =	smov.u32 @p2 s5;
	p2 =	sne.s32 s7, $0x62  }
.Ltmp1:
0x14: {  	s15 =	smov.u32 s10;
	s20 =	simm.s32 @!p1 $0x2;
	(pc) =	sbr.rel @!p2 .LBB1_8-.Ltmp1, $4  }
0x15: {  	s14 =	smov.u32 s11;
	p0 =	por !p0, !p0;
	_ =	swait.ge @!p1 [sflag:s20], $0x4000  }
0x16: {  	[sflag:s20] =	ssyncset.done @!p1 $0x0;
	s8 =	smov.u32 s16;
	s17 =	simm.s32 @p3 $0x0  }
0x17: {  	[sflag:s20] =	ssyncadd.s32 @!p1 $0xFFFFC000;
	s18 =	simm.s32 @p4 $0x0;
	s12 =	smov.u32 s9  }
0x18: {  	s9 =	smov.u32 s17;
	s10 =	smov.u32 s18;
	s11 =	smov.u32 s19  }
.LBB1_1:
0x19: {  	p1 =	sgt.u32 s7, $0x5F  }
0x1a: {  	s16 =	sshrl.u32 @!p1 s9, $0x3  }
0x1b: {  	s17 =	sshll.u32 @!p1 s8, $0x3;
	s16 =	smul.u32 @!p1 $0x1800, s16  }
0x1c: {  	s18 =	sshll.u32 @!p1 s9, $0x7;
	s17 =	sand.u32 @!p1 $0xFFFFFC00, s17  }
0x1d: {  	s16 =	sadd.s32 @!p1 s16, s17;
	s17 =	sand.u32 @!p1 $0x380, s18  }
0x1e: {  	s18 =	sand.u32 @!p1 $0x7F, s8;
	s16 =	sor.u32 @!p1 s17, s16  }
0x1f: {  	s17 =	sor.u32 @!p1 s18, s16  }
0x20: {  	s18 =	smulhi.u32 @!p1 $0xAAAAAAAB, s17  }
0x21: {  	s16 =	smulhi.u32 @!p1 $0xAAAAAAAB, s16  }
0x22: {  	s20 =	smul.u32 @!p1 $0xC000, s11;
	s18 =	sshrl.u32 @!p1 s18, $0x9  }
0x23: {  	s19 =	sxor.u32 @!p1 $0xFFFFFFFF, s7;
	s16 =	sshrl.u32 @!p1 s16, $0x9;
	s18 =	smul.u32 @!p1 $0x300, s18  }
0x24: {  	s21 =	smul.u32 @!p1 $0x1800, s10;
	s19 =	sshll.u32 @!p1 s19, $0xE;
	s16 =	sand.u32 @!p1 $0x3F, s16  }
0x25: {  	s16 =	smul.u32 @!p1 $0x60, s16;
	s17 =	ssub.s32 @!p1 s17, s18;
	s18 =	sadd.s32 @!p1 s2, s20  }
0x26: {  	s19 =	sand.u32 @!p1 $0x4000, s19;
	s18 =	sadd.s32 @!p1 s21, s18;
	s20 =	sand.u32 @!p1 $0x7, s17  }
0x27: {  	s17 =	sshrl.u32 @!p1 s17, $0x3;
	s16 =	sadd.s32 @!p1 s16, s18;
	s18 =	sshll.u32 @!p1 s20, $0x12  }
0x28: {  	s16 =	sadd.s32 @!p1 s17, s16;
	s17 =	sor.u32 @!p1 $0x400, s18;
	s18 =	simm.s32 @!p1 $0x1800  }
0x29: {  	[tilespmem:s19], [sflag:$0x1] =	stream.strided.gather @!p1 [hbm4b:s16+s17], $0x4000, s18, s17, $0x38;
	[tilespmem:$0x10000] =	vst v63  }
0x2a: {  	p1 =	seq.s32 s7, $0x0  }
0x2b: {  	p2 =	seq.s32 @!p1 s7, $0x61  }
0x2c: {  	p1 =	por p1, p2  }
.Ltmp2:
0x2d: {  	_ = 	snop;
	(pc) =	sbr.rel @p1 .LBB1_7-.Ltmp2, $1  }
0x2e: {  	_ =	sdelay $0x3  }
0x2f: {  	s16 =	simm.s32 $0x1;
	_ =	swait.ge [sflag:s4], $0x4000  }
0x30: {  	s17 =	sshll.u32 s7, $0xE;
	s19 =	simm.s32 $0x0;
	s16 =	simm.s32 @!p0 $0x0  }
0x31: {  	p2 =	por $0x1, $0x1;
	[sflag:s4] =	ssyncset.done $0x0;
	s16 =	sshll.u32 s16, $0x10  }
0x32: {  	s17 =	sand.u32 $0x4000, s17;
	[sflag:s4] =	ssyncadd.s32 $0xFFFFC000;
	s18 =	sshrl.u32 s16, $0x2  }
0x33: {  	s16 =	sor.u32 $0x8000, s17;
	s17 =	sadd.s32 $0x8040, s18;
	s18 =	sadd.s32 $0x40, s18  }
.LBB1_3:
0x34: {  	s20 =	sshll.u32 s19, $0xD  }
0x35: {  	s20 =	sand.u32 $0x3FFFE000, s20  }
0x36: {  	s20 =	sadd.s32 s20, s18  }
0x37: {  	v0 =	vmov s20;
	_ =	sdelay $0x4  }
0x38: {  	v6 =	vld.idx.msk [tilespmem:v0+s22+$0x30 ss:$0x1], $0xffff  }
0x39: {  	v7 =	vld.idx.msk [tilespmem:v0+s22+$0xFFFFFFC0 ss:$0x1], $0xffff  }
0x3a: {  	v1 =	vld.idx.msk [tilespmem:v0+s22+$0xFFFFFFD0 ss:$0x1], $0xffff  }
0x3b: {  	s31 =	sshll.u32 s19, $0x7;
	v2 =	vld.idx.msk [tilespmem:v0+s22+$0xFFFFFFE0 ss:$0x1], $0xffff  }
0x3c: {  	s19 =	sand.u32 $0x3FFFFF80, s31;
	v3 =	vld.idx.msk [tilespmem:v0+s22+$0xFFFFFFF0 ss:$0x1], $0xffff  }
0x3d: {  	s19 =	sadd.s32 s19, s17;
	v4 =	vld.idx.msk [tilespmem:v0+s22+$0x0 ss:$0x1], $0xffff  }
0x3e: {  	v5 =	vld.idx.msk [tilespmem:v0+s22+$0x10 ss:$0x1], $0xffff;
	[tilespmem:s19+$0x30] =	vst v6  }
0x3f: {  	p1 =	por p2, p2;
	s21 =	simm.s32 $0x400;
	s20 =	simm.s32 $0x80;
	[tilespmem:s19+$0xFFFFFFC0] =	vst v7;
	v6 =	vld.idx.msk [tilespmem:v0+s22+$0x20 ss:$0x1], $0xffff  }
.LBB1_4:
0x40: {  	p2 =	sne.s32 s21, $0x7E00;
	v7 =	vld.idx.msk [tilespmem:v0+s20+$0x30 ss:$0x1], $0xffff;
	[tilespmem:s19+$0xFFFFFFD0] =	vst v1  }
0x41: {  	v8 =	vld.idx.msk [tilespmem:v0+s20+$0xFFFFFFC0 ss:$0x1], $0xffff;
	[tilespmem:s19+$0xFFFFFFE0] =	vst v2  }
0x42: {  	v1 =	vld.idx.msk [tilespmem:v0+s20+$0xFFFFFFD0 ss:$0x1], $0xffff;
	[tilespmem:s19+$0xFFFFFFF0] =	vst v3  }
.Ltmp3:
0x43: {  	v2 =	vld.idx.msk [tilespmem:v0+s20+$0xFFFFFFE0 ss:$0x1], $0xffff;
	[tilespmem:s19+$0x0] =	vst v4;
	(pc) =	sbr.rel @p2 .LBB1_4-.Ltmp3, $4  }
0x44: {  	v3 =	vld.idx.msk [tilespmem:v0+s20+$0xFFFFFFF0 ss:$0x1], $0xffff;
	[tilespmem:s19+$0x10] =	vst v5  }
0x45: {  	v4 =	vld.idx.msk [tilespmem:v0+s20+$0x0 ss:$0x1], $0xffff;
	[tilespmem:s19+$0x20] =	vst v6;
	s19 =	sadd.s32 $0x100, s19  }
0x46: {  	v5 =	vld.idx.msk [tilespmem:v0+s20+$0x10 ss:$0x1], $0xffff;
	[tilespmem:s19+$0x30] =	vst v7  }
0x47: {  	[tilespmem:s19+$0xFFFFFFC0] =	vst v8;
	v6 =	vld.idx.msk [tilespmem:v0+s20+$0x20 ss:$0x1], $0xffff;
	s20 =	sshra.s32 s21, $0x2;
	s21 =	sadd.s32 $0x200, s21  }
0x48: {  	_ =	sdelay $0x2  }
0x49: {  	[tilespmem:s19+$0xFFFFFFD0] =	vst v1  }
0x4a: {  	v56 =	vld.idx.msk [tilespmem:v0+s20+$0x30 ss:$0x1], $0xffff;
	[tilespmem:s19+$0xFFFFFFE0] =	vst v2  }
0x4b: {  	v57 =	vld.idx.msk [tilespmem:v0+s20+$0xFFFFFFC0 ss:$0x1], $0xffff;
	[tilespmem:s19+$0xFFFFFFF0] =	vst v3  }
0x4c: {  	v58 =	vld.idx.msk [tilespmem:v0+s20+$0xFFFFFFD0 ss:$0x1], $0xffff;
	[tilespmem:s19+$0x0] =	vst v4  }
0x4d: {  	v59 =	vld.idx.msk [tilespmem:v0+s20+$0xFFFFFFE0 ss:$0x1], $0xffff;
	[tilespmem:s19+$0x10] =	vst v5  }
0x4e: {  	v60 =	vld.idx.msk [tilespmem:v0+s20+$0xFFFFFFF0 ss:$0x1], $0xffff;
	s31 =	sadd.s32 $0x100, s19;
	[tilespmem:s19+$0x20] =	vst v6  }
0x4f: {  	v61 =	vld.idx.msk [tilespmem:v0+s20+$0x0 ss:$0x1], $0xffff;
	[tilespmem:s31+$0x30] =	vst v56  }
0x50: {  	v62 =	vld.idx.msk [tilespmem:v0+s20+$0x10 ss:$0x1], $0xffff;
	[tilespmem:s31+$0xFFFFFFC0] =	vst v57  }
0x51: {  	v63 =	vld.idx.msk [tilespmem:v0+s20+$0x20 ss:$0x1], $0xffff;
	[tilespmem:s31+$0xFFFFFFD0] =	vst v58  }
.Ltmp4:
0x52: {  	[tilespmem:s31+$0xFFFFFFE0] =	vst v59;
	(pc) =	sbr.rel @p1 .LBB1_3-.Ltmp4, $4  }
0x53: {  	[tilespmem:s31+$0xFFFFFFF0] =	vst v60  }
0x54: {  	[tilespmem:s31+$0x0] =	vst v61  }
0x55: {  	[tilespmem:s31+$0x10] =	vst v62  }
0x56: {  	p2 =	por $0x0, $0x0;
	s19 =	simm.s32 $0x1;
	[tilespmem:s31+$0x20] =	vst v63  }
0x57: {  	s17 =	sshrl.u32 s15, $0x3  }
0x58: {  	s18 =	sshll.u32 s13, $0x3;
	s17 =	smul.u32 $0x1800, s17  }
0x59: {  	s27 =	sshll.u32 s15, $0x7;
	s18 =	sand.u32 $0xFFFFFC00, s18  }
0x5a: {  	s15 =	sand.u32 $0x380, s27;
	s17 =	sadd.s32 s17, s18  }
0x5b: {  	s28 =	sand.u32 $0x7F, s13;
	s15 =	sor.u32 s15, s17  }
0x5c: {  	s13 =	sor.u32 s28, s15;
	s15 =	smulhi.u32 $0xAAAAAAAB, s15  }
0x5d: {  	s29 =	smulhi.u32 $0xAAAAAAAB, s13  }
0x5e: {  	s14 =	smul.u32 $0xC000, s14  }
0x5f: {  	s12 =	smul.u32 $0x300, s12;
	s15 =	sshrl.u32 s15, $0x9;
	s17 =	sshrl.u32 s29, $0x9  }
0x60: {  	s15 =	sand.u32 $0x7, s15;
	s17 =	smul.u32 $0x300, s17  }
0x61: {  	s15 =	smul.u32 $0x60, s15  }
.Ltmp5:
0x62: {  	s14 =	sadd.s32 s3, s14;
	s13 =	ssub.s32 s13, s17;
	(pc) =	sbr.rel .LBB1_7-.Ltmp5, $4  }
0x63: {  	s12 =	sadd.s32 s12, s14;
	s30 =	sand.u32 $0x7, s13  }
0x64: {  	s12 =	sadd.s32 s15, s12;
	s13 =	sshrl.u32 s13, $0x3;
	s14 =	sshll.u32 s30, $0x12  }
0x65: {  	s12 =	sadd.s32 s13, s12;
	s31 =	sor.u32 $0x100, s14  }
0x66: {  	[hbm4b:s12+s31] =	stream.strided.scatter [tilespmem:s16], [sflag:$0x2], $0x4000, s6, s31, $0x38;
	[tilespmem:$0x10000] =	vst v63  }
.LBB1_8:
0x67: {  	_ =	sfence.sel $0x180000  }
0x68: {  	s2 =	simm.s32 $0x1;
	[bflag:$0x0] =	sbarrier.arrive $0xFFFF  }
0x69: {  	s31 =	simm.s32 $0x2;
	[sflag:s2] =	ssyncpa.u1 $0x1  }
0x6a: {  	[sflag:s31] =	ssyncpa.u1 $0x1  }
0x6b: {  	p0 =	sne.s32 s1, $0x0;
	_ =	strace $0x90000047  }
0x6c: {  	s0 =	sadd.s32 @!p0 $0x100000, s0;
	[bflag:$0x2] =	sbarrier.arrive $0xFFFF  }
0x6d: {  	[sflag:s0] =	ssyncadd.tile.s32 @!p0 $0x1;
	_ =	shalt  }
.Lfunc_end1:
_tile_overlayer_lowered:
.L_overlay_start_2:
0x6e: {  	(tag) =	ssettag $0x2  }
0x6f: {  	s0 =	rddreg [dreg:$0x0];
	s2 =	stileid.u32  }
0x70: {  	s1 =	rddreg [dreg:$0x1];
	p0 =	sne.s32 s2, $0x0  }
0x71: {  	s3 =	rddreg [dreg:$0x2];
	[bflag:$0x3] =	sbarrier.arrive $0xFFFF;
	s2 =	simm.s32 @!p0 $0x1C01  }
0x72: {  	[timem:s3], [sflag:s2] =	dma.local @!p0 [hbm:s0], s1  }
0x73: {  	s0 =	simm.s32 @!p0 $0x1  }
0x74: {  	_ =	swait.ge @!p0 [sflag:s0], s1  }
0x75: {  	s1 =	ssub.s32 @!p0 $0x0, s1;
	[sflag:s0] =	ssyncset.done @!p0 $0x0  }
0x76: {  	[sflag:s0] =	ssyncadd.s32 @!p0 s1  }
0x77: {  	[bflag:$0x3] =	sbarrier.arrive $0xFFFF  }
0x78: {  	_ =	shalt  }

</sc_bundles>
